<compile_context>
chip_gen: v7x
topology: tpu7x:2x2x1
jax: 0.10.2.dev20260603
libtpu: 0.0.44.dev20260713+nightly
codegen_flags: <defaults>
</compile_context>

<pallas_src>
import functools
import jax
import jax.numpy as jnp
from jax import lax
from jax.experimental import pallas as pl
from jax.experimental.pallas import tpu as pltpu
from jax.experimental.pallas import tpu_sc as plsc

TOKEN_DIM = 768
N_TOKENS = 8192
HALF = N_TOKENS // 2
NW = 32
ROWS_PER_W = HALF // NW
NCH = 2
CH = ROWS_PER_W // NCH


def _tc_body(emb_ref, out_ref):
    out_ref[...] = emb_ref[...]


def _sc_body(emb_hbm, out_hbm, buf, insem, outsem):
    wid = lax.axis_index("s") * 2 + lax.axis_index("c")
    base = wid * ROWS_PER_W

    def in_cp(ch, b):
        return pltpu.make_async_copy(
            emb_hbm.at[pl.ds(base + ch * CH, CH), :], buf.at[b],
            insem.at[b])

    def out_cp(ch, b):
        return pltpu.make_async_copy(
            buf.at[b], out_hbm.at[pl.ds(base + ch * CH, CH), :],
            outsem.at[b])

    in_cp(0, 0).start()
    for ch in range(NCH):
        b = ch & 1
        in_cp(ch, b).wait()
        if ch >= 1:
            out_cp(ch - 1, b ^ 1).wait()
        if ch + 1 < NCH:
            in_cp(ch + 1, b ^ 1).start()
        out_cp(ch, b).start()
    out_cp(NCH - 1, (NCH - 1) & 1).wait()


def kernel(tokenized_text, embedded_text, image_embeds, learnable_vector,
           Wq1, Wk1, Wv1, Wo1, bo1, Wq2, Wk2, Wv2, Wo2, bo2, Wnet, bnet):
    emb = embedded_text.reshape(N_TOKENS, TOKEN_DIM)
    lo = emb[:HALF]
    hi = emb[HALF:]
    out_lo = pl.pallas_call(
        _tc_body,
        grid=(2,),
        in_specs=[pl.BlockSpec((HALF // 2, TOKEN_DIM), lambda i: (i, 0))],
        out_specs=pl.BlockSpec((HALF // 2, TOKEN_DIM), lambda i: (i, 0)),
        out_shape=jax.ShapeDtypeStruct((HALF, TOKEN_DIM), jnp.float32),
        compiler_params=pltpu.CompilerParams(
            dimension_semantics=("parallel",)),
    )(lo)
    mesh = plsc.VectorSubcoreMesh(core_axis_name="c", subcore_axis_name="s")
    out_hi = pl.kernel(
        _sc_body,
        out_type=jax.ShapeDtypeStruct((HALF, TOKEN_DIM), jnp.float32),
        mesh=mesh,
        scratch_types=[
            pltpu.VMEM((2, CH, TOKEN_DIM), jnp.float32),
            pltpu.SemaphoreType.DMA((2,)),
            pltpu.SemaphoreType.DMA((2,)),
        ],
    )(hi)
    return (out_lo, out_hi)

# --- scband reference (transcript-rebuilt; emitter-appended) ---
"""Pipeline reference for scband-embedding-manager-29626684407831 (READ-ONLY COPY).

The authoritative reference and input builder live on the scoring server;
editing this copy changes nothing except your own understanding.
"""

import jax, jax.numpy as jnp
import numpy as np

HEADS = 8
DIM_HEAD = 64
INNER = HEADS * DIM_HEAD
TOKEN_DIM = 768
PLACEHOLDER_TOKEN = 42


def cross_attention(x, ctx, Wq, Wk, Wv, Wo, bo):
    b, n, _ = x.shape
    m = ctx.shape[1]
    q = x @ Wq
    k = ctx @ Wk
    v = ctx @ Wv
    def split(t, L):
        return t.reshape(b, L, HEADS, DIM_HEAD).transpose(0, 2, 1, 3)
    qh, kh, vh = split(q, n), split(k, m), split(v, m)
    sim = jnp.einsum('bhid,bhjd->bhij', qh, kh) * (DIM_HEAD ** -0.5)
    attn = jax.nn.softmax(sim.astype(jnp.float32), axis=-1).astype(sim.dtype)
    out = jnp.einsum('bhij,bhjd->bhid', attn, vh)
    out = out.transpose(0, 2, 1, 3).reshape(b, n, INNER)
    return out @ Wo + bo


def setup_inputs(seed: int = 0) -> dict:
    key = jax.random.key(seed)
    ks = jax.random.split(key, 16)
    B, N = 1, 8192
    tokenized_text = jax.random.randint(ks[0], (B, N), 0, 100, dtype=jnp.int64 if jax.config.jax_enable_x64 else jnp.int32).astype(jnp.int32)
    embedded_text = jax.random.normal(ks[1], (B, N, TOKEN_DIM), dtype=jnp.float32)
    image_embeds = jax.random.normal(ks[2], (B, TOKEN_DIM), dtype=jnp.float32)
    learnable_vector = jax.random.normal(ks[3], (1, 1, TOKEN_DIM), dtype=jnp.float32)
    s_in = 0.02
    Wq1 = jax.random.normal(ks[4], (TOKEN_DIM, INNER), dtype=jnp.float32) * s_in
    Wk1 = jax.random.normal(ks[5], (TOKEN_DIM, INNER), dtype=jnp.float32) * s_in
    Wv1 = jax.random.normal(ks[6], (TOKEN_DIM, INNER), dtype=jnp.float32) * s_in
    Wo1 = jax.random.normal(ks[7], (INNER, TOKEN_DIM), dtype=jnp.float32) * s_in
    bo1 = jnp.zeros((TOKEN_DIM,), dtype=jnp.float32)
    Wq2 = jax.random.normal(ks[8], (TOKEN_DIM, INNER), dtype=jnp.float32) * s_in
    Wk2 = jax.random.normal(ks[9], (TOKEN_DIM, INNER), dtype=jnp.float32) * s_in
    Wv2 = jax.random.normal(ks[10], (TOKEN_DIM, INNER), dtype=jnp.float32) * s_in
    Wo2 = jax.random.normal(ks[11], (INNER, TOKEN_DIM), dtype=jnp.float32) * s_in
    bo2 = jnp.zeros((TOKEN_DIM,), dtype=jnp.float32)
    Wnet = jax.random.normal(ks[12], (TOKEN_DIM, TOKEN_DIM), dtype=jnp.float32) * s_in
    bnet = jnp.zeros((TOKEN_DIM,), dtype=jnp.float32)
    return {
        'tokenized_text': tokenized_text,
        'embedded_text': embedded_text,
        'image_embeds': image_embeds,
        'learnable_vector': learnable_vector,
        'Wq1': Wq1, 'Wk1': Wk1, 'Wv1': Wv1, 'Wo1': Wo1, 'bo1': bo1,
        'Wq2': Wq2, 'Wk2': Wk2, 'Wv2': Wv2, 'Wo2': Wo2, 'bo2': bo2,
        'Wnet': Wnet, 'bnet': bnet,
    }


def reference(tokenized_text, embedded_text, image_embeds, learnable_vector,
              Wq1, Wk1, Wv1, Wo1, bo1, Wq2, Wk2, Wv2, Wo2, bo2, Wnet, bnet):
    # max_vectors_per_token == 1 path of EmbeddingManager.forward
    b, n = tokenized_text.shape
    x = learnable_vector.reshape(b, 1, TOKEN_DIM)
    # Attentions: attn1 self-attn, attn2 cross-attn with context=x, then Linear
    x1 = cross_attention(x, x, Wq1, Wk1, Wv1, Wo1, bo1)
    x2 = cross_attention(x1, x, Wq2, Wk2, Wv2, Wo2, bo2)
    x3 = x2 @ Wnet + bnet
    placeholder_embedding = x3.reshape(1, TOKEN_DIM)
    mask = (tokenized_text == PLACEHOLDER_TOKEN)
    out = jnp.where(mask[:, :, None], placeholder_embedding.reshape(1, 1, TOKEN_DIM).astype(jnp.float32), embedded_text)
    return out

if __name__ == "__main__":
    import jax
    _d = setup_inputs()
    print(jax.jit(kernel)(*tuple(_d.values())))

</pallas_src>

<mosaic_0001>
#map = affine_map<(d0, d1) -> (0, 0)>
module attributes {stable_mosaic.version = 14 : i64} {
  func.func @_sc_body(%arg0: i32, %arg1: i32, %arg2: memref<4096x768xf32, #tpu.memory_space<hbm>>, %arg3: memref<4096x768xf32, #tpu.memory_space<hbm>>, %arg4: memref<2x64x768xf32, #tpu.memory_space<vmem>>, %arg5: memref<2x!tpu.dma_semaphore, #tpu.memory_space<semaphore_mem>>, %arg6: memref<2x!tpu.dma_semaphore, #tpu.memory_space<semaphore_mem>>) attributes {dimension_semantics = [#tpu.dimension_semantics<core_parallel>, #tpu.dimension_semantics<subcore_parallel>], iteration_bounds = array<i64: 2, 16>, scalar_prefetch = 0 : i64, scratch_operands = 3 : i64, tpu.core_type = #tpu.core_type<sc_vector_subcore>, window_params = [{transform_indices = #map}, {transform_indices = #map}]} {
    %mul3A = arith.constant 2 : i32
    %mul3A_0 = arith.muli %arg1, %mul3A : i32
    %add3A = arith.addi %mul3A_0, %arg0 : i32
    %mul3A_1 = arith.constant 128 : i32
    %mul3A_2 = arith.muli %add3A, %mul3A_1 : i32
    %add3A_3 = arith.constant 0 : i32
    %add3A_4 = arith.addi %mul3A_2, %add3A_3 : i32
    %dma_start3A = arith.constant 0 : i32
    %dma_start3A_5 = arith.constant 0 : i32
    %dma_start3A_6 = arith.constant 0 : i32
    %dma_start3A_7 = arith.constant 0 : i32
    %dma_start3A_8 = tpu.memref_slice %arg4[%dma_start3A, %dma_start3A_6, %dma_start3A_7] : memref<2x64x768xf32, #tpu.memory_space<vmem>> -> memref<1x64x768xf32, #tpu.memory_space<vmem>>
    %dma_start3A_9 = tpu.memref_squeeze %dma_start3A_8 : memref<1x64x768xf32, #tpu.memory_space<vmem>> -> memref<64x768xf32, #tpu.memory_space<vmem>>
    %dma_start3A_10 = arith.constant 0 : i32
    %dma_start3A_11 = tpu.memref_slice %arg2[%add3A_4, %dma_start3A_10] : memref<4096x768xf32, #tpu.memory_space<hbm>> -> memref<64x768xf32, #tpu.memory_space<hbm>>
    %dma_start3A_12 = tpu.memref_slice %arg5[%dma_start3A_5] : memref<2x!tpu.dma_semaphore, #tpu.memory_space<semaphore_mem>> -> memref<1x!tpu.dma_semaphore, #tpu.memory_space<semaphore_mem>>
    %dma_start3A_13 = tpu.memref_squeeze %dma_start3A_12 : memref<1x!tpu.dma_semaphore, #tpu.memory_space<semaphore_mem>> -> memref<!tpu.dma_semaphore, #tpu.memory_space<semaphore_mem>>
    %dma_start3A_14 = arith.constant 0 : i32
    %dma_start3A_15 = arith.constant 0 : i32
    %dma_start3A_16 = tpu.memref_slice %arg4[%dma_start3A, %dma_start3A_14, %dma_start3A_15] : memref<2x64x768xf32, #tpu.memory_space<vmem>> -> memref<1x64x768xf32, #tpu.memory_space<vmem>>
    %dma_start3A_17 = tpu.memref_squeeze %dma_start3A_16 : memref<1x64x768xf32, #tpu.memory_space<vmem>> -> memref<64x768xf32, #tpu.memory_space<vmem>>
    %dma_start3A_18 = arith.constant 0 : i32
    %dma_start3A_19 = tpu.memref_slice %arg2[%add3A_4, %dma_start3A_18] : memref<4096x768xf32, #tpu.memory_space<hbm>> -> memref<64x768xf32, #tpu.memory_space<hbm>>
    tpu.enqueue_dma source(%dma_start3A_19 : memref<64x768xf32, #tpu.memory_space<hbm>>) target(%dma_start3A_17 : memref<64x768xf32, #tpu.memory_space<vmem>>) target_semaphore(%dma_start3A_13 : memref<!tpu.dma_semaphore, #tpu.memory_space<semaphore_mem>>)
    %add3A_20 = arith.constant 0 : i32
    %add3A_21 = arith.addi %mul3A_2, %add3A_20 : i32
    %dma_wait3A = arith.constant 0 : i32
    %dma_wait3A_22 = arith.constant 0 : i32
    %dma_wait3A_23 = arith.constant 0 : i32
    %dma_wait3A_24 = arith.constant 0 : i32
    %dma_wait3A_25 = tpu.memref_slice %arg4[%dma_wait3A, %dma_wait3A_23, %dma_wait3A_24] : memref<2x64x768xf32, #tpu.memory_space<vmem>> -> memref<1x64x768xf32, #tpu.memory_space<vmem>>
    %dma_wait3A_26 = tpu.memref_squeeze %dma_wait3A_25 : memref<1x64x768xf32, #tpu.memory_space<vmem>> -> memref<64x768xf32, #tpu.memory_space<vmem>>
    %dma_wait3A_27 = arith.constant 0 : i32
    %dma_wait3A_28 = tpu.memref_slice %arg2[%add3A_21, %dma_wait3A_27] : memref<4096x768xf32, #tpu.memory_space<hbm>> -> memref<64x768xf32, #tpu.memory_space<hbm>>
    %dma_wait3A_29 = tpu.memref_slice %arg5[%dma_wait3A_22] : memref<2x!tpu.dma_semaphore, #tpu.memory_space<semaphore_mem>> -> memref<1x!tpu.dma_semaphore, #tpu.memory_space<semaphore_mem>>
    %dma_wait3A_30 = tpu.memref_squeeze %dma_wait3A_29 : memref<1x!tpu.dma_semaphore, #tpu.memory_space<semaphore_mem>> -> memref<!tpu.dma_semaphore, #tpu.memory_space<semaphore_mem>>
    %dma_wait3A_31 = arith.constant 0 : i32
    %dma_wait3A_32 = arith.constant 0 : i32
    %dma_wait3A_33 = tpu.memref_slice %arg4[%dma_wait3A, %dma_wait3A_31, %dma_wait3A_32] : memref<2x64x768xf32, #tpu.memory_space<vmem>> -> memref<1x64x768xf32, #tpu.memory_space<vmem>>
    %dma_wait3A_34 = tpu.memref_squeeze %dma_wait3A_33 : memref<1x64x768xf32, #tpu.memory_space<vmem>> -> memref<64x768xf32, #tpu.memory_space<vmem>>
    %dma_wait3A_35 = arith.constant 0 : i32
    %dma_wait3A_36 = tpu.memref_slice %arg2[%add3A_21, %dma_wait3A_35] : memref<4096x768xf32, #tpu.memory_space<hbm>> -> memref<64x768xf32, #tpu.memory_space<hbm>>
    tpu.wait_dma2 semaphore(%dma_wait3A_30 : memref<!tpu.dma_semaphore, #tpu.memory_space<semaphore_mem>>) src(%dma_wait3A_36 : memref<64x768xf32, #tpu.memory_space<hbm>>) dst(%dma_wait3A_34 : memref<64x768xf32, #tpu.memory_space<vmem>>)
    %add3A_37 = arith.constant 64 : i32
    %add3A_38 = arith.addi %mul3A_2, %add3A_37 : i32
    %dma_start3A_39 = arith.constant 1 : i32
    %dma_start3A_40 = arith.constant 1 : i32
    %dma_start3A_41 = arith.constant 0 : i32
    %dma_start3A_42 = arith.constant 0 : i32
    %dma_start3A_43 = tpu.memref_slice %arg4[%dma_start3A_39, %dma_start3A_41, %dma_start3A_42] : memref<2x64x768xf32, #tpu.memory_space<vmem>> -> memref<1x64x768xf32, #tpu.memory_space<vmem>>
    %dma_start3A_44 = tpu.memref_squeeze %dma_start3A_43 : memref<1x64x768xf32, #tpu.memory_space<vmem>> -> memref<64x768xf32, #tpu.memory_space<vmem>>
    %dma_start3A_45 = arith.constant 0 : i32
    %dma_start3A_46 = tpu.memref_slice %arg2[%add3A_38, %dma_start3A_45] : memref<4096x768xf32, #tpu.memory_space<hbm>> -> memref<64x768xf32, #tpu.memory_space<hbm>>
    %dma_start3A_47 = tpu.memref_slice %arg5[%dma_start3A_40] : memref<2x!tpu.dma_semaphore, #tpu.memory_space<semaphore_mem>> -> memref<1x!tpu.dma_semaphore, #tpu.memory_space<semaphore_mem>>
    %dma_start3A_48 = tpu.memref_squeeze %dma_start3A_47 : memref<1x!tpu.dma_semaphore, #tpu.memory_space<semaphore_mem>> -> memref<!tpu.dma_semaphore, #tpu.memory_space<semaphore_mem>>
    %dma_start3A_49 = arith.constant 0 : i32
    %dma_start3A_50 = arith.constant 0 : i32
    %dma_start3A_51 = tpu.memref_slice %arg4[%dma_start3A_39, %dma_start3A_49, %dma_start3A_50] : memref<2x64x768xf32, #tpu.memory_space<vmem>> -> memref<1x64x768xf32, #tpu.memory_space<vmem>>
    %dma_start3A_52 = tpu.memref_squeeze %dma_start3A_51 : memref<1x64x768xf32, #tpu.memory_space<vmem>> -> memref<64x768xf32, #tpu.memory_space<vmem>>
    %dma_start3A_53 = arith.constant 0 : i32
    %dma_start3A_54 = tpu.memref_slice %arg2[%add3A_38, %dma_start3A_53] : memref<4096x768xf32, #tpu.memory_space<hbm>> -> memref<64x768xf32, #tpu.memory_space<hbm>>
    tpu.enqueue_dma source(%dma_start3A_54 : memref<64x768xf32, #tpu.memory_space<hbm>>) target(%dma_start3A_52 : memref<64x768xf32, #tpu.memory_space<vmem>>) target_semaphore(%dma_start3A_48 : memref<!tpu.dma_semaphore, #tpu.memory_space<semaphore_mem>>)
    %add3A_55 = arith.constant 0 : i32
    %add3A_56 = arith.addi %mul3A_2, %add3A_55 : i32
    %dma_start3A_57 = arith.constant 0 : i32
    %dma_start3A_58 = arith.constant 0 : i32
    %dma_start3A_59 = arith.constant 0 : i32
    %dma_start3A_60 = arith.constant 0 : i32
    %dma_start3A_61 = tpu.memref_slice %arg4[%dma_start3A_57, %dma_start3A_59, %dma_start3A_60] : memref<2x64x768xf32, #tpu.memory_space<vmem>> -> memref<1x64x768xf32, #tpu.memory_space<vmem>>
    %dma_start3A_62 = tpu.memref_squeeze %dma_start3A_61 : memref<1x64x768xf32, #tpu.memory_space<vmem>> -> memref<64x768xf32, #tpu.memory_space<vmem>>
    %dma_start3A_63 = arith.constant 0 : i32
    %dma_start3A_64 = tpu.memref_slice %arg3[%add3A_56, %dma_start3A_63] : memref<4096x768xf32, #tpu.memory_space<hbm>> -> memref<64x768xf32, #tpu.memory_space<hbm>>
    %dma_start3A_65 = tpu.memref_slice %arg6[%dma_start3A_58] : memref<2x!tpu.dma_semaphore, #tpu.memory_space<semaphore_mem>> -> memref<1x!tpu.dma_semaphore, #tpu.memory_space<semaphore_mem>>
    %dma_start3A_66 = tpu.memref_squeeze %dma_start3A_65 : memref<1x!tpu.dma_semaphore, #tpu.memory_space<semaphore_mem>> -> memref<!tpu.dma_semaphore, #tpu.memory_space<semaphore_mem>>
    %dma_start3A_67 = arith.constant 0 : i32
    %dma_start3A_68 = tpu.memref_slice %arg3[%add3A_56, %dma_start3A_67] : memref<4096x768xf32, #tpu.memory_space<hbm>> -> memref<64x768xf32, #tpu.memory_space<hbm>>
    %dma_start3A_69 = arith.constant 0 : i32
    %dma_start3A_70 = arith.constant 0 : i32
    %dma_start3A_71 = tpu.memref_slice %arg4[%dma_start3A_57, %dma_start3A_69, %dma_start3A_70] : memref<2x64x768xf32, #tpu.memory_space<vmem>> -> memref<1x64x768xf32, #tpu.memory_space<vmem>>
    %dma_start3A_72 = tpu.memref_squeeze %dma_start3A_71 : memref<1x64x768xf32, #tpu.memory_space<vmem>> -> memref<64x768xf32, #tpu.memory_space<vmem>>
    tpu.enqueue_dma source(%dma_start3A_72 : memref<64x768xf32, #tpu.memory_space<vmem>>) target(%dma_start3A_68 : memref<64x768xf32, #tpu.memory_space<hbm>>) target_semaphore(%dma_start3A_66 : memref<!tpu.dma_semaphore, #tpu.memory_space<semaphore_mem>>)
    %add3A_73 = arith.constant 64 : i32
    %add3A_74 = arith.addi %mul3A_2, %add3A_73 : i32
    %dma_wait3A_75 = arith.constant 1 : i32
    %dma_wait3A_76 = arith.constant 1 : i32
    %dma_wait3A_77 = arith.constant 0 : i32
    %dma_wait3A_78 = arith.constant 0 : i32
    %dma_wait3A_79 = tpu.memref_slice %arg4[%dma_wait3A_75, %dma_wait3A_77, %dma_wait3A_78] : memref<2x64x768xf32, #tpu.memory_space<vmem>> -> memref<1x64x768xf32, #tpu.memory_space<vmem>>
    %dma_wait3A_80 = tpu.memref_squeeze %dma_wait3A_79 : memref<1x64x768xf32, #tpu.memory_space<vmem>> -> memref<64x768xf32, #tpu.memory_space<vmem>>
    %dma_wait3A_81 = arith.constant 0 : i32
    %dma_wait3A_82 = tpu.memref_slice %arg2[%add3A_74, %dma_wait3A_81] : memref<4096x768xf32, #tpu.memory_space<hbm>> -> memref<64x768xf32, #tpu.memory_space<hbm>>
    %dma_wait3A_83 = tpu.memref_slice %arg5[%dma_wait3A_76] : memref<2x!tpu.dma_semaphore, #tpu.memory_space<semaphore_mem>> -> memref<1x!tpu.dma_semaphore, #tpu.memory_space<semaphore_mem>>
    %dma_wait3A_84 = tpu.memref_squeeze %dma_wait3A_83 : memref<1x!tpu.dma_semaphore, #tpu.memory_space<semaphore_mem>> -> memref<!tpu.dma_semaphore, #tpu.memory_space<semaphore_mem>>
    %dma_wait3A_85 = arith.constant 0 : i32
    %dma_wait3A_86 = arith.constant 0 : i32
    %dma_wait3A_87 = tpu.memref_slice %arg4[%dma_wait3A_75, %dma_wait3A_85, %dma_wait3A_86] : memref<2x64x768xf32, #tpu.memory_space<vmem>> -> memref<1x64x768xf32, #tpu.memory_space<vmem>>
    %dma_wait3A_88 = tpu.memref_squeeze %dma_wait3A_87 : memref<1x64x768xf32, #tpu.memory_space<vmem>> -> memref<64x768xf32, #tpu.memory_space<vmem>>
    %dma_wait3A_89 = arith.constant 0 : i32
    %dma_wait3A_90 = tpu.memref_slice %arg2[%add3A_74, %dma_wait3A_89] : memref<4096x768xf32, #tpu.memory_space<hbm>> -> memref<64x768xf32, #tpu.memory_space<hbm>>
    tpu.wait_dma2 semaphore(%dma_wait3A_84 : memref<!tpu.dma_semaphore, #tpu.memory_space<semaphore_mem>>) src(%dma_wait3A_90 : memref<64x768xf32, #tpu.memory_space<hbm>>) dst(%dma_wait3A_88 : memref<64x768xf32, #tpu.memory_space<vmem>>)
    %add3A_91 = arith.constant 0 : i32
    %add3A_92 = arith.addi %mul3A_2, %add3A_91 : i32
    %dma_wait3A_93 = arith.constant 0 : i32
    %dma_wait3A_94 = arith.constant 0 : i32
    %dma_wait3A_95 = arith.constant 0 : i32
    %dma_wait3A_96 = arith.constant 0 : i32
    %dma_wait3A_97 = tpu.memref_slice %arg4[%dma_wait3A_93, %dma_wait3A_95, %dma_wait3A_96] : memref<2x64x768xf32, #tpu.memory_space<vmem>> -> memref<1x64x768xf32, #tpu.memory_space<vmem>>
    %dma_wait3A_98 = tpu.memref_squeeze %dma_wait3A_97 : memref<1x64x768xf32, #tpu.memory_space<vmem>> -> memref<64x768xf32, #tpu.memory_space<vmem>>
    %dma_wait3A_99 = arith.constant 0 : i32
    %dma_wait3A_100 = tpu.memref_slice %arg3[%add3A_92, %dma_wait3A_99] : memref<4096x768xf32, #tpu.memory_space<hbm>> -> memref<64x768xf32, #tpu.memory_space<hbm>>
    %dma_wait3A_101 = tpu.memref_slice %arg6[%dma_wait3A_94] : memref<2x!tpu.dma_semaphore, #tpu.memory_space<semaphore_mem>> -> memref<1x!tpu.dma_semaphore, #tpu.memory_space<semaphore_mem>>
    %dma_wait3A_102 = tpu.memref_squeeze %dma_wait3A_101 : memref<1x!tpu.dma_semaphore, #tpu.memory_space<semaphore_mem>> -> memref<!tpu.dma_semaphore, #tpu.memory_space<semaphore_mem>>
    %dma_wait3A_103 = arith.constant 0 : i32
    %dma_wait3A_104 = tpu.memref_slice %arg3[%add3A_92, %dma_wait3A_103] : memref<4096x768xf32, #tpu.memory_space<hbm>> -> memref<64x768xf32, #tpu.memory_space<hbm>>
    %dma_wait3A_105 = arith.constant 0 : i32
    %dma_wait3A_106 = arith.constant 0 : i32
    %dma_wait3A_107 = tpu.memref_slice %arg4[%dma_wait3A_93, %dma_wait3A_105, %dma_wait3A_106] : memref<2x64x768xf32, #tpu.memory_space<vmem>> -> memref<1x64x768xf32, #tpu.memory_space<vmem>>
    %dma_wait3A_108 = tpu.memref_squeeze %dma_wait3A_107 : memref<1x64x768xf32, #tpu.memory_space<vmem>> -> memref<64x768xf32, #tpu.memory_space<vmem>>
    tpu.wait_dma2 semaphore(%dma_wait3A_102 : memref<!tpu.dma_semaphore, #tpu.memory_space<semaphore_mem>>) src(%dma_wait3A_108 : memref<64x768xf32, #tpu.memory_space<vmem>>) dst(%dma_wait3A_104 : memref<64x768xf32, #tpu.memory_space<hbm>>)
    %add3A_109 = arith.constant 64 : i32
    %add3A_110 = arith.addi %mul3A_2, %add3A_109 : i32
    %dma_start3A_111 = arith.constant 1 : i32
    %dma_start3A_112 = arith.constant 1 : i32
    %dma_start3A_113 = arith.constant 0 : i32
    %dma_start3A_114 = arith.constant 0 : i32
    %dma_start3A_115 = tpu.memref_slice %arg4[%dma_start3A_111, %dma_start3A_113, %dma_start3A_114] : memref<2x64x768xf32, #tpu.memory_space<vmem>> -> memref<1x64x768xf32, #tpu.memory_space<vmem>>
    %dma_start3A_116 = tpu.memref_squeeze %dma_start3A_115 : memref<1x64x768xf32, #tpu.memory_space<vmem>> -> memref<64x768xf32, #tpu.memory_space<vmem>>
    %dma_start3A_117 = arith.constant 0 : i32
    %dma_start3A_118 = tpu.memref_slice %arg3[%add3A_110, %dma_start3A_117] : memref<4096x768xf32, #tpu.memory_space<hbm>> -> memref<64x768xf32, #tpu.memory_space<hbm>>
    %dma_start3A_119 = tpu.memref_slice %arg6[%dma_start3A_112] : memref<2x!tpu.dma_semaphore, #tpu.memory_space<semaphore_mem>> -> memref<1x!tpu.dma_semaphore, #tpu.memory_space<semaphore_mem>>
    %dma_start3A_120 = tpu.memref_squeeze %dma_start3A_119 : memref<1x!tpu.dma_semaphore, #tpu.memory_space<semaphore_mem>> -> memref<!tpu.dma_semaphore, #tpu.memory_space<semaphore_mem>>
    %dma_start3A_121 = arith.constant 0 : i32
    %dma_start3A_122 = tpu.memref_slice %arg3[%add3A_110, %dma_start3A_121] : memref<4096x768xf32, #tpu.memory_space<hbm>> -> memref<64x768xf32, #tpu.memory_space<hbm>>
    %dma_start3A_123 = arith.constant 0 : i32
    %dma_start3A_124 = arith.constant 0 : i32
    %dma_start3A_125 = tpu.memref_slice %arg4[%dma_start3A_111, %dma_start3A_123, %dma_start3A_124] : memref<2x64x768xf32, #tpu.memory_space<vmem>> -> memref<1x64x768xf32, #tpu.memory_space<vmem>>
    %dma_start3A_126 = tpu.memref_squeeze %dma_start3A_125 : memref<1x64x768xf32, #tpu.memory_space<vmem>> -> memref<64x768xf32, #tpu.memory_space<vmem>>
    tpu.enqueue_dma source(%dma_start3A_126 : memref<64x768xf32, #tpu.memory_space<vmem>>) target(%dma_start3A_122 : memref<64x768xf32, #tpu.memory_space<hbm>>) target_semaphore(%dma_start3A_120 : memref<!tpu.dma_semaphore, #tpu.memory_space<semaphore_mem>>)
    %add3A_127 = arith.constant 64 : i32
    %add3A_128 = arith.addi %mul3A_2, %add3A_127 : i32
    %dma_wait3A_129 = arith.constant 1 : i32
    %dma_wait3A_130 = arith.constant 1 : i32
    %dma_wait3A_131 = arith.constant 0 : i32
    %dma_wait3A_132 = arith.constant 0 : i32
    %dma_wait3A_133 = tpu.memref_slice %arg4[%dma_wait3A_129, %dma_wait3A_131, %dma_wait3A_132] : memref<2x64x768xf32, #tpu.memory_space<vmem>> -> memref<1x64x768xf32, #tpu.memory_space<vmem>>
    %dma_wait3A_134 = tpu.memref_squeeze %dma_wait3A_133 : memref<1x64x768xf32, #tpu.memory_space<vmem>> -> memref<64x768xf32, #tpu.memory_space<vmem>>
    %dma_wait3A_135 = arith.constant 0 : i32
    %dma_wait3A_136 = tpu.memref_slice %arg3[%add3A_128, %dma_wait3A_135] : memref<4096x768xf32, #tpu.memory_space<hbm>> -> memref<64x768xf32, #tpu.memory_space<hbm>>
    %dma_wait3A_137 = tpu.memref_slice %arg6[%dma_wait3A_130] : memref<2x!tpu.dma_semaphore, #tpu.memory_space<semaphore_mem>> -> memref<1x!tpu.dma_semaphore, #tpu.memory_space<semaphore_mem>>
    %dma_wait3A_138 = tpu.memref_squeeze %dma_wait3A_137 : memref<1x!tpu.dma_semaphore, #tpu.memory_space<semaphore_mem>> -> memref<!tpu.dma_semaphore, #tpu.memory_space<semaphore_mem>>
    %dma_wait3A_139 = arith.constant 0 : i32
    %dma_wait3A_140 = tpu.memref_slice %arg3[%add3A_128, %dma_wait3A_139] : memref<4096x768xf32, #tpu.memory_space<hbm>> -> memref<64x768xf32, #tpu.memory_space<hbm>>
    %dma_wait3A_141 = arith.constant 0 : i32
    %dma_wait3A_142 = arith.constant 0 : i32
    %dma_wait3A_143 = tpu.memref_slice %arg4[%dma_wait3A_129, %dma_wait3A_141, %dma_wait3A_142] : memref<2x64x768xf32, #tpu.memory_space<vmem>> -> memref<1x64x768xf32, #tpu.memory_space<vmem>>
    %dma_wait3A_144 = tpu.memref_squeeze %dma_wait3A_143 : memref<1x64x768xf32, #tpu.memory_space<vmem>> -> memref<64x768xf32, #tpu.memory_space<vmem>>
    tpu.wait_dma2 semaphore(%dma_wait3A_138 : memref<!tpu.dma_semaphore, #tpu.memory_space<semaphore_mem>>) src(%dma_wait3A_144 : memref<64x768xf32, #tpu.memory_space<vmem>>) dst(%dma_wait3A_140 : memref<64x768xf32, #tpu.memory_space<hbm>>)
    return
  }
}

module attributes {stable_mosaic.version = 14 : i64} {
  func.func @_tc_body(%arg0: i32, %arg1: memref<2048x768xf32, #tpu.memory_space<vmem>>, %arg2: memref<2048x768xf32, #tpu.memory_space<vmem>>) attributes {dimension_semantics = [#tpu.dimension_semantics<parallel>], iteration_bounds = array<i64: 2>, scalar_prefetch = 0 : i64, scratch_operands = 0 : i64, tpu.core_type = #tpu.core_type<tc>, window_params = [{transform_indices = @transform_0, window_bounds = array<i64: 2048, 768>}, {transform_indices = @transform_1, window_bounds = array<i64: 2048, 768>}]} {
    %get3A = arith.constant 0 : index
    %get3A_0 = arith.constant 0 : index
    %get3A_1 = vector.load %arg1[%get3A, %get3A_0] : memref<2048x768xf32, #tpu.memory_space<vmem>>, vector<2048x768xf32>
    %swap3A = arith.constant 0 : index
    %swap3A_2 = arith.constant 0 : index
    %swap3A_3 = vector.load %arg2[%swap3A, %swap3A_2] : memref<2048x768xf32, #tpu.memory_space<vmem>>, vector<2048x768xf32>
    tpu.vector_store %arg2[%swap3A, %swap3A_2], %get3A_1 {strides = array<i32>} : memref<2048x768xf32, #tpu.memory_space<vmem>>, vector<2048x768xf32>,
    return
  }
  func.func @transform_0(%arg0: i32) -> (i32, i32) {
    %c0_i32 = arith.constant 0 : i32
    %c0_i32_0 = arith.constant 0 : i32
    return %arg0, %c0_i32 : i32, i32
  }
  func.func @transform_1(%arg0: i32) -> (i32, i32) {
    %c0_i32 = arith.constant 0 : i32
    %c0_i32_0 = arith.constant 0 : i32
    return %arg0, %c0_i32 : i32, i32
  }
}

</mosaic_0001>

<sc_bundles>
// kernel: kernel.4.cloned.1.call-start
scs
__scs_entry_jumppad:
0x0: {  	(pc) =	sbr.rel $0x88, $3  }
0x1: {  	(tag) =	ssettag $0x0;
	lr =	simm.s32 $0x1  }
0x2: {  	[smem:$0x3FA0] =	sst lr;
	_ =	strace $0xD0000000  }
0x3: {  	_ = 	snop  }
0x4: {  	_ = 	snop  }
0x5: {  	_ = 	snop  }
0x6: {  	_ = 	snop  }
0x7: {  	_ = 	snop  }
__scs_overlays_trampoline_lowered:
0x8: {  	[smem:$0x3FAF] =	sst s0  }
0x9: {  	[smem:$0x3FB0] =	sst s1  }
0xa: {  	[smem:$0x3FB1] =	sst s2  }
0xb: {  	[smem:$0x3FB2] =	sst s3  }
0xc: {  	[smem:$0x3FB3] =	sst s4  }
0xd: {  	[smem:$0x3FB4] =	sst s5  }
0xe: {  	[smem:$0x3FB5] =	sst s6  }
0xf: {  	[smem:$0x3FB6] =	sst s7  }
0x10: {  	[smem:$0x3FB7] =	sst s8  }
0x11: {  	[smem:$0x3FB8] =	sst s9;
	s0 =	simm.s32 @!p0 $0x0  }
0x12: {  	s1 =	sld [smem:$0x3F9E];
	s0 =	simm.s32 @p0 $0x1  }
0x13: {  	[smem:$0x3FB9] =	sst s0;
	s0 =	simm.s32 @!p1 $0x0  }
0x14: {  	s2 =	sld [smem:$0x3F9D];
	s0 =	simm.s32 @p1 $0x1  }
0x15: {  	[smem:$0x3FBA] =	sst s0;
	s0 =	simm.s32 @!p2 $0x0  }
0x16: {  	s3 =	sld [smem:$0x3FDB];
	s0 =	simm.s32 @p2 $0x1  }
0x17: {  	s4 =	simm.s32 $0x1BF5;
	[smem:$0x3FBC] =	sst s0  }
0x18: {  	s0 =	sld [smem:$0x3F9F];
	_ =	swait.ge [sflag:s4], $0x0  }
0x19: {  	s7 =	sld [smem:$0x3FA0]  }
0x1a: {  	s8 =	sadd.s32 $0xFFFFE003, lr  }
0x1b: {  	s9 =	sadd.s32 $0xFFFFFEF7, lr;
	s5 =	simm.s32 $0xFFFFFFFF;
	p2 =	slt.u32 s8, $0xFFFFF086  }
0x1c: {  	p1 =	slt.u32 s9, $0xF7A;
	s5 =	simm.s32 @!p2 $0x0  }
0x1d: {  	s5 =	simm.s32 @p1 $0x1;
	p0 =	seq.s32 s7, s2  }
0x1e: {  	s7 =	smul.u32 @!p0 $0xF7A, s2;
	p2 =	seq.s32 @!p0 s5, $0x0  }
0x1f: {  	s9 =	smul.u32 $0xF7A, s1;
	s8 =	simm.s32 @!p0 $0x1BF5;
	p2 =	por !p2, p0  }
0x20: {  	[sflag:s8] =	ssyncset.s32 @!p0 $0xFFFFF086;
	s6 =	sadd.s32 @!p0 s3, s7;
	s7 =	simm.s32 @!p0 $0x108  }
0x21: {  	s3 =	sadd.s32 s3, s9;
	s6 =	sadd.s32 @!p0 $0x88, s6;
	s7 =	simm.s32 @p2 $0x1082  }
0x22: {  	[simem:s7], [sflag:s8] =	dma.local @!p0 [hbm:s6], $0xF7A  }
0x23: {  	s9 =	sor.u32 $0xD0000000, s2;
	s6 =	simm.s32 $0x108;
	_ =	swait.ge @!p0 [sflag:s8], $0x0  }
0x24: {  	s3 =	sadd.s32 $0x88, s3;
	s6 =	simm.s32 @!p1 $0x1082;
	[sflag:s4] =	ssyncset.s32 $0xFFFFF086  }
0x25: {  	[simem:s6], [sflag:s4] =	dma.local [hbm:s3], $0xF7A  }
0x26: {  	[smem:$0x3FA0] =	sst s1;
	(tag) =	ssettag s2;
	_ =	strace s9  }
0x27: {  	s1 =	sld [smem:$0x3FB0]  }
0x28: {  	s2 =	sld [smem:$0x3FB1]  }
0x29: {  	s4 =	sld [smem:$0x3FB3]  }
0x2a: {  	p0 =	seq.s32 s5, $0x0;
	s5 =	sld [smem:$0x3FB4]  }
0x2b: {  	s6 =	sld [smem:$0x3FB5]  }
0x2c: {  	s7 =	sld [smem:$0x3FB6]  }
0x2d: {  	s3 =	simm.s32 $0x108;
	s8 =	sld [smem:$0x3FB7]  }
0x2e: {  	s3 =	simm.s32 @!p0 $0x1082;
	s9 =	sld [smem:$0x3FB8]  }
0x2f: {  	lr =	sadd.s32 s0, s3;
	s0 =	sld [smem:$0x3FAF]  }
0x30: {  	s3 =	sld [smem:$0x3FB2]  }
0x31: {  	[smem:$0x3FBB] =	sst s10  }
0x32: {  	s10 =	sld [smem:$0x3FB9];
	_ =	sdelay $0x3  }
0x33: {  	p0 =	seq.s32 s10, $0x1;
	s10 =	sld [smem:$0x3FBB];
	_ =	sdelay $0x3  }
0x34: {  	[smem:$0x3FBB] =	sst s10  }
0x35: {  	s10 =	sld [smem:$0x3FBA];
	_ =	sdelay $0x3  }
0x36: {  	p1 =	seq.s32 s10, $0x1;
	s10 =	sld [smem:$0x3FBB];
	_ =	sdelay $0x3  }
0x37: {  	[smem:$0x3FBB] =	sst s10  }
0x38: {  	s10 =	sld [smem:$0x3FBC]  }
0x39: {  	_ = 	snop;
	(pc) =	sbr.ind lr, $3  }
0x3a: {  	_ = 	snop  }
0x3b: {  	_ = 	snop  }
0x3c: {  	p2 =	seq.s32 s10, $0x1;
	s10 =	sld [smem:$0x3FBB]  }
0x3d: {  	_ =	shalt  }
0x3e: {  	_ =	shalt  }
0x3f: {  	_ =	shalt  }
0x40: {  	_ =	shalt  }
0x41: {  	_ =	shalt  }
0x42: {  	_ =	shalt  }
0x43: {  	_ =	shalt  }
0x44: {  	_ =	shalt  }
0x45: {  	_ =	shalt  }
0x46: {  	_ =	shalt  }
0x47: {  	_ =	shalt  }
0x48: {  	_ =	shalt  }
0x49: {  	_ =	shalt  }
0x4a: {  	_ =	shalt  }
0x4b: {  	_ =	shalt  }
0x4c: {  	_ =	shalt  }
0x4d: {  	_ =	shalt  }
0x4e: {  	_ =	shalt  }
0x4f: {  	_ =	shalt  }
0x50: {  	_ =	shalt  }
0x51: {  	_ =	shalt  }
0x52: {  	_ =	shalt  }
0x53: {  	_ =	shalt  }
0x54: {  	_ =	shalt  }
0x55: {  	_ =	shalt  }
0x56: {  	_ =	shalt  }
0x57: {  	_ =	shalt  }
0x58: {  	_ =	shalt  }
0x59: {  	_ =	shalt  }
0x5a: {  	_ =	shalt  }
0x5b: {  	_ =	shalt  }
0x5c: {  	_ =	shalt  }
0x5d: {  	_ =	shalt  }
0x5e: {  	_ =	shalt  }
0x5f: {  	_ =	shalt  }
0x60: {  	_ =	shalt  }
0x61: {  	_ =	shalt  }
0x62: {  	_ =	shalt  }
0x63: {  	_ =	shalt  }
0x64: {  	_ =	shalt  }
0x65: {  	_ =	shalt  }
0x66: {  	_ =	shalt  }
0x67: {  	_ =	shalt  }
0x68: {  	_ =	shalt  }
0x69: {  	_ =	shalt  }
0x6a: {  	_ =	shalt  }
0x6b: {  	_ =	shalt  }
0x6c: {  	_ =	shalt  }
0x6d: {  	_ =	shalt  }
0x6e: {  	_ =	shalt  }
0x6f: {  	_ =	shalt  }
0x70: {  	_ =	shalt  }
0x71: {  	_ =	shalt  }
0x72: {  	_ =	shalt  }
0x73: {  	_ =	shalt  }
0x74: {  	_ =	shalt  }
0x75: {  	_ =	shalt  }
0x76: {  	_ =	shalt  }
0x77: {  	_ =	shalt  }
0x78: {  	_ =	shalt  }
0x79: {  	_ =	shalt  }
0x7a: {  	_ =	shalt  }
0x7b: {  	_ =	shalt  }
0x7c: {  	_ =	shalt  }
0x7d: {  	_ =	shalt  }
0x7e: {  	_ =	shalt  }
0x7f: {  	_ =	shalt  }
0x80: {  	_ =	shalt  }
0x81: {  	_ =	shalt  }
0x82: {  	_ =	shalt  }
0x83: {  	_ =	shalt  }
0x84: {  	_ =	shalt  }
0x85: {  	_ =	shalt  }
0x86: {  	_ =	shalt  }
0x87: {  	_ =	shalt  }
.Lfunc_end0:
.L_simem_size_0:
called_computation_lowered:
.L_overlay_start_0:
0x88: {  	s2 =	sld [smem:$0x3FD9]  }
0x89: {  	s3 =	sld [smem:$0x3FFE];
	_ =	sdelay $0x1  }
0x8a: {  	s1 =	srdreg.scid  }
0x8b: {  	s0 =	sand.u32 $0x1, s1  }
0x8c: {  	s14 =	sshll.u32 s0, $0xA;
	s2 =	sadd.s32 s3, s2  }
0x8d: {  	s2 =	sadd.s32 s2, s14  }
0x8e: {  	[smem:$0x3FC7] =	sst s2  }
0x8f: {  	_ = 	snop  }
0x90: {  	s2 =	sld [smem:$0x3FD0];
	_ =	sdelay $0x2  }
0x91: {  	s15 =	simm.s32 $0xA;
	s4 =	simm.s32 $0x10  }
0x92: {  	[smem:s4], [sflag:s15] =	dma.local [hbm:s2], $0x1  }
0x93: {  	_ =	swait.eq [sflag:s15], $0x1  }
0x94: {  	[sflag:s15] =	ssyncset.done $0x0  }
0x95: {  	[sflag:s15] =	ssyncadd.s32 $0xFFFFFFFF  }
0x96: {  	s16 =	sld [smem:$0x11];
	(tm) =	ssettm $0x1  }
0x97: {  	s17 =	sld [smem:$0x3FFB];
	_ =	sdelay $0x3  }
0x98: {  	_ =	strace s17  }
0x99: {  	s3 =	sld [smem:$0x3FFC];
	_ =	sdelay $0x3  }
0x9a: {  	_ =	strace s3  }
0x9b: {  	s3 =	sld [smem:$0x3FFD];
	_ =	sdelay $0x3  }
0x9c: {  	_ =	strace s3  }
0x9d: {  	_ =	strace $0x8FFFFFFF  }
0x9e: {  	s18 =	sld [smem:$0x3FDB];
	_ =	sdelay $0x1  }
0x9f: {  	s19 =	simm.s32 $_scs_section_size  }
0xa0: {  	s5 =	simm.s32 $_size__tile_overlayer_lowered;
	s6 =	simm.s32 $_tile_overlayer_lowered  }
0xa1: {  	s22 =	simm.s32 $0x1BFF;
	s21 =	sshll.u32 s6, $0x1;
	s3 =	sadd.s32 s19, s18  }
0xa2: {  	s7 =	simm.s32 $0x0;
	s20 =	sshll.u32 s5, $0x1;
	s5 =	sadd.s32 s21, s3  }
0xa3: {  	[timem:s7], [sflag:s22] =	dma.local [hbm:s5], s20  }
0xa4: {  	_ =	swait.ge [sflag:s22], s20  }
0xa5: {  	s4 =	ssub.s32 $0x0, s20;
	[sflag:s22] =	ssyncset.done $0x0  }
0xa6: {  	[sflag:s22] =	ssyncadd.s32 s4;
	_ =	sdelay $0x1  }
0xa7: {  	s23 =	simm.s32 $0x1B8B  }
0xa8: {  	_ =	swait.ge [sflag:s23], $0x1  }
0xa9: {  	[sflag:s23] =	ssyncset.done $0x0  }
0xaa: {  	s25 =	simm.s32 $0x1B8E;
	s24 =	sld [smem:$0x3FFE];
	[sflag:s23] =	ssyncadd.s32 $0xFFFFFFFF  }
0xab: {  	s26 =	simm.s32 $execute0_lowered;
	[smem:$0x3FD2] =	sst s25  }
0xac: {  	s5 =	sshll.u32 s26, $0x1;
	_ =	strace $0x80000046;
	[dreg:$0x1] =	wrdreg $0xFFFFFFFF  }
0xad: {  	s28 =	simm.s32 $_size_execute0_lowered;
	s3 =	sadd.s32 s3, s5;
	[dreg:$0x0] =	wrdreg $0x0  }
0xae: {  	s5 =	sshll.u32 s28, $0x1;
	[dreg:$0x2] =	wrdreg s3  }
0xaf: {  	[dreg:$0x3] =	wrdreg s5  }
0xb0: {  	[dreg:$0x4] =	wrdreg $0xC0  }
0xb1: {  	_ =	task [dreg:s7], $0x5FFFF  }
0xb2: {  	[dreg:$0x1] =	wrdreg $0xFFFFFFFF  }
0xb3: {  	[dreg:$0x0] =	wrdreg $0x60  }
0xb4: {  	[dreg:$0x2] =	wrdreg s24  }
0xb5: {  	[dreg:$0x3] =	wrdreg s16  }
0xb6: {  	[dreg:$0x4] =	wrdreg $0x9  }
0xb7: {  	_ =	task.clear_ibuf [dreg:s7], $0x5FFFF;
	_ =	strace $0x90000046  }
0xb8: {  	s29 =	simm.s32 $0x9;
	_ =	strace $0x80000048  }
0xb9: {  	_ =	swait.ge [sflag:s29], $0x1  }
0xba: {  	[sflag:s29] =	ssyncadd.s32 $0xFFFFFFFF  }
0xbb: {  	_ =	strace $0x90000048  }
0xbc: {  	_ =	sfence  }
0xbd: {  	s30 =	sld [smem:$0x0];
	_ =	sdelay $0x2  }
0xbe: {  	s31 =	sshll.u32 s1, $0xD;
	s1 =	sshrl.u32 s1, $0x2  }
0xbf: {  	s3 =	sand.u32 $0x4000, s31;
	s1 =	sadd.s32 s1, s30  }
0xc0: {  	s0 =	sor.u32 s3, s0;
	s1 =	sshll.u32 s1, $0x11  }
0xc1: {  	s0 =	sor.u32 s1, s0  }
0xc2: {  	s0 =	sadd.s32 $0x8F2B, s0  }
0xc3: {  	[sflag:s0] =	ssyncadd.remote.s32 $0x1  }
0xc4: {  	_ =	sfence.sel $0xFFFF  }
0xc5: {  	[dreg:$0x0] =	wrdreg $0xFFFFFFFF;
	(pc) =	sbr.abs _section_cstart, $3  }
0xc6: {  	[dreg:$0x1] =	wrdreg $0xFFFFFFFF  }
0xc7: {  	_ =	task.clear_ibuf [dreg:s7], $0x2FFFF;
	_ =	strace $0x9FFFFFFF  }
0xc8: {  	(tm) =	ssettm $0x7FFFFFFF  }
0xc9: {  	_ =	shalt  }
tec
execute0_lowered:
.L_overlay_start_1:
0x0: {  	(tag) =	ssettag $0x1  }
0x1: {  	s1 =	srdreg.scid  }
0x2: {  	s0 =	stileid.u32;
	s9 =	sand.u32 $0x1, s1  }
0x3: {  	s3 =	rddreg [dreg:$0x0];
	s4 =	sshll.u32 s0, $0x5;
	s5 =	sshll.u32 s9, $0x4  }
0x4: {  	s10 =	rddreg [dreg:$0x1];
	s2 =	simm.s32 $0x0;
	s4 =	sor.u32 s5, s4  }
0x5: {  	[smem:$0x7FF] =	sst s2;
	s7 =	smul.u32 $0x300, s4  }
0x6: {  	s1 =	rddreg [dreg:$0x2];
	s31 =	sadd.s32 $0x400, s3;
	_ =	strace $0x80000047  }
0x7: {  	s6 =	smul.u32 $0x1800, s4;
	s4 =	simm.s32 $0x1;
	s3 =	sadd.s32 s31, s7  }
0x8: {  	[tilespmem:s2], [sflag:$0x1] =	stream.linear.gather [hbm4b:s3+s2], $0xC000, $0x38;
	[tilespmem:$0x18000] =	vst v63  }
0x9: {  	s6 =	sshrl.u32 s6, $0x3;
	_ =	swait.ge [sflag:s4], $0xC000  }
0xa: {  	s11 =	sadd.s32 $0x1800, s6;
	[sflag:s4] =	ssyncset.done $0x0  }
0xb: {  	s6 =	simm.s32 $0xC000;
	s5 =	sadd.s32 s31, s11;
	[sflag:s4] =	ssyncadd.s32 $0xFFFF4000  }
0xc: {  	[tilespmem:s6], [sflag:$0x2] =	stream.linear.gather [hbm4b:s5+s2], $0xC000, $0x38;
	[tilespmem:$0x18000] =	vst v63  }
0xd: {  	s8 =	simm.s32 $0x2;
	s12 =	ssub.s32 $0x2, s9;
	s7 =	sadd.s32 s10, s7  }
0xe: {  	[hbm4b:s7+s2] =	stream.linear.scatter [tilespmem:s2], [sflag:$0x3], $0xC000, $0x38;
	[tilespmem:$0x18000] =	vst v63  }
0xf: {  	s13 =	sshrl.u32 s12, $0x1;
	_ =	swait.ge [sflag:s8], $0xC000  }
0x10: {  	s12 =	ssub.s32 s12, s13;
	[sflag:s8] =	ssyncset.done $0x0  }
0x11: {  	s9 =	simm.s32 $0x3;
	s12 =	smax.u32 s12, $0x1;
	[sflag:s8] =	ssyncadd.s32 $0xFFFF4000  }
0x12: {  	p0 =	sne.s32 s12, $0x1;
	_ =	swait.ge [sflag:s9], $0xC000  }
.Ltmp0:
0x13: {  	[sflag:s9] =	ssyncset.done $0x0;
	(pc) =	sbr.rel @!p0 .LBB2_2-.Ltmp0, $4  }
0x14: {  	s10 =	sadd.s32 s10, s11;
	s11 =	simm.s32 $0x4;
	[sflag:s9] =	ssyncadd.s32 $0xFFFF4000  }
0x15: {  	[hbm4b:s10+s2] =	stream.linear.scatter [tilespmem:s6], [sflag:$0x4], $0xC000, $0x38;
	[tilespmem:$0x18000] =	vst v63  }
0x16: {  	_ =	swait.ge [sflag:s11], $0xC000  }
0x17: {  	s12 =	sadd.s32 $0xFFFFFFFF, s12;
	[sflag:s11] =	ssyncset.done $0x0  }
.LBB2_1:
0x18: {  	p0 =	sne.s32 s12, $0x1;
	s12 =	sadd.s32 $0xFFFFFFFF, s12;
	[sflag:s11] =	ssyncadd.s32 $0xFFFF4000  }
0x19: {  	[tilespmem:s2], [sflag:$0x1] =	stream.linear.gather [hbm4b:s3+s2], $0xC000, $0x38;
	[tilespmem:$0x18000] =	vst v63  }
0x1a: {  	_ =	swait.ge [sflag:s4], $0xC000  }
0x1b: {  	[sflag:s4] =	ssyncset.done $0x0  }
0x1c: {  	[sflag:s4] =	ssyncadd.s32 $0xFFFF4000  }
0x1d: {  	[tilespmem:s6], [sflag:$0x2] =	stream.linear.gather [hbm4b:s5+s2], $0xC000, $0x38;
	[tilespmem:$0x18000] =	vst v63  }
0x1e: {  	_ = 	snop  }
0x1f: {  	[hbm4b:s7+s2] =	stream.linear.scatter [tilespmem:s2], [sflag:$0x3], $0xC000, $0x38;
	[tilespmem:$0x18000] =	vst v63  }
0x20: {  	_ =	swait.ge [sflag:s8], $0xC000  }
0x21: {  	[sflag:s8] =	ssyncset.done $0x0  }
0x22: {  	[sflag:s8] =	ssyncadd.s32 $0xFFFF4000  }
0x23: {  	_ =	swait.ge [sflag:s9], $0xC000  }
.Ltmp1:
0x24: {  	[sflag:s9] =	ssyncset.done $0x0;
	(pc) =	sbr.rel @p0 .LBB2_1-.Ltmp1, $4  }
0x25: {  	[sflag:s9] =	ssyncadd.s32 $0xFFFF4000  }
0x26: {  	[hbm4b:s10+s2] =	stream.linear.scatter [tilespmem:s6], [sflag:$0x4], $0xC000, $0x38;
	[tilespmem:$0x18000] =	vst v63  }
0x27: {  	_ =	swait.ge [sflag:s11], $0xC000  }
0x28: {  	[sflag:s11] =	ssyncset.done $0x0  }
.LBB2_2:
0x29: {  	[sflag:s11] =	ssyncadd.s32 $0xFFFF4000  }
0x2a: {  	_ =	sfence.sel $0x180000  }
0x2b: {  	[bflag:$0x0] =	sbarrier.arrive $0xFFFF  }
0x2c: {  	p0 =	sne.s32 s0, $0x0;
	_ =	strace $0x90000047  }
0x2d: {  	s0 =	sadd.s32 @!p0 $0x100000, s1;
	[bflag:$0x2] =	sbarrier.arrive $0xFFFF  }
0x2e: {  	[sflag:s0] =	ssyncadd.tile.s32 @!p0 $0x1;
	_ =	shalt  }
.Lfunc_end2:
_tile_overlayer_lowered:
.L_overlay_start_2:
0x2f: {  	(tag) =	ssettag $0x2  }
0x30: {  	s0 =	rddreg [dreg:$0x0];
	s2 =	stileid.u32  }
0x31: {  	s1 =	rddreg [dreg:$0x1];
	p0 =	sne.s32 s2, $0x0  }
0x32: {  	s3 =	rddreg [dreg:$0x2];
	[bflag:$0x3] =	sbarrier.arrive $0xFFFF;
	s2 =	simm.s32 @!p0 $0x1C05  }
0x33: {  	[timem:s3], [sflag:s2] =	dma.local @!p0 [hbm:s0], s1  }
0x34: {  	s0 =	simm.s32 @!p0 $0x5  }
0x35: {  	_ =	swait.ge @!p0 [sflag:s0], s1  }
0x36: {  	s1 =	ssub.s32 @!p0 $0x0, s1;
	[sflag:s0] =	ssyncset.done @!p0 $0x0  }
0x37: {  	[sflag:s0] =	ssyncadd.s32 @!p0 s1  }
0x38: {  	[bflag:$0x3] =	sbarrier.arrive $0xFFFF  }
0x39: {  	_ =	shalt  }

</sc_bundles>
